<compile_context>
chip_gen: v7x
topology: tpu7x:2x2x1
jax: 0.10.2.dev20260603
libtpu: 0.0.44.dev20260713+nightly
codegen_flags: <defaults>
</compile_context>

<pallas_src>
import functools

import jax
import jax.numpy as jnp
from jax import lax
from jax.experimental import pallas as pl
from jax.experimental.pallas import tpu as pltpu
from jax.experimental.pallas import tpu_sc as plsc

_ALPHA = 4
_NBUF = 2


def _make_sc_gather(B, T, C, H, W, dtype):
    S = T // _ALPHA
    mesh = plsc.VectorSubcoreMesh(core_axis_name="c", subcore_axis_name="s")

    @functools.partial(
        pl.kernel,
        out_type=jax.ShapeDtypeStruct((B, S, C, H, W), dtype),
        mesh=mesh,
        scratch_types=[pltpu.VMEM((_NBUF, H, W), dtype)]
        + [pltpu.SemaphoreType.DMA] * (2 * _NBUF),
    )
    def k(src_hbm, slow_hbm, buf, *sems):
        isem, osem = sems[:_NBUF], sems[_NBUF:]
        wid = lax.axis_index("s") * 2 + lax.axis_index("c")
        b = wid // S
        j = wid % S
        t_src = (j * (T - 1)) // (S - 1)

        ins, outs = [None] * C, [None] * C

        def start_in(i):
            ins[i] = pltpu.make_async_copy(
                src_hbm.at[b, t_src, i], buf.at[i % _NBUF], isem[i % _NBUF])
            ins[i].start()

        def start_out(i):
            outs[i] = pltpu.make_async_copy(
                buf.at[i % _NBUF], slow_hbm.at[b, j, i], osem[i % _NBUF])
            outs[i].start()

        start_in(0)
        for i in range(C):
            if i + 1 < C:
                if i + 1 >= _NBUF:
                    outs[i + 1 - _NBUF].wait()
                start_in(i + 1)
            ins[i].wait()
            start_out(i)
        for i in range(max(0, C - _NBUF), C):
            outs[i].wait()

    return k


def kernel(frames):
    B, T, C, H, W = frames.shape
    slow = _make_sc_gather(B, T, C, H, W, frames.dtype)(frames)
    return slow, frames

# --- scband reference (transcript-rebuilt; emitter-appended) ---
"""Pipeline reference for scband-pack-pathway-47321949668011 (READ-ONLY COPY).

The authoritative reference and input builder live on the scoring server;
editing this copy changes nothing except your own understanding.
"""

import jax, jax.numpy as jnp
import numpy as np

ALPHA = 4

def setup_inputs(seed: int = 0) -> dict:
    key = jax.random.key(seed)
    frames = jax.random.normal(key, (4, 32, 3, 224, 224), dtype=jnp.float32)
    return {"frames": frames}

def reference(frames):
    T = frames.shape[1]
    # torch.linspace(0, T-1, T//alpha).long() truncates toward zero
    idx = jnp.linspace(0.0, T - 1, T // ALPHA).astype(jnp.int32)
    slow_pathway = jnp.take(frames, idx, axis=1)
    fast_pathway = frames
    return (slow_pathway, fast_pathway)

if __name__ == "__main__":
    import jax
    _d = setup_inputs()
    print(jax.jit(kernel)(*tuple(_d.values())))

</pallas_src>

<mosaic_0001>
#map = affine_map<(d0, d1) -> (0, 0, 0, 0, 0)>
module attributes {stable_mosaic.version = 14 : i64} {
  func.func @k(%arg0: i32, %arg1: i32, %arg2: memref<4x32x3x224x224xf32, #tpu.memory_space<hbm>>, %arg3: memref<4x8x3x224x224xf32, #tpu.memory_space<hbm>>, %arg4: memref<2x224x224xf32, #tpu.memory_space<vmem>>, %arg5: memref<!tpu.dma_semaphore, #tpu.memory_space<semaphore_mem>>, %arg6: memref<!tpu.dma_semaphore, #tpu.memory_space<semaphore_mem>>, %arg7: memref<!tpu.dma_semaphore, #tpu.memory_space<semaphore_mem>>, %arg8: memref<!tpu.dma_semaphore, #tpu.memory_space<semaphore_mem>>) attributes {dimension_semantics = [#tpu.dimension_semantics<core_parallel>, #tpu.dimension_semantics<subcore_parallel>], iteration_bounds = array<i64: 2, 16>, scalar_prefetch = 0 : i64, scratch_operands = 5 : i64, tpu.core_type = #tpu.core_type<sc_vector_subcore>, window_params = [{transform_indices = #map}, {transform_indices = #map}]} {
    %mul3A = arith.constant 2 : i32
    %mul3A_0 = arith.muli %arg1, %mul3A : i32
    %add3A = arith.addi %mul3A_0, %arg0 : i32
    %jit3A = arith.constant 8 : i32
    %div3A = arith.divsi %add3A, %jit3A : i32
    %sign3A = arith.constant 0 : i32
    %sign3A_1 = arith.cmpi sgt, %add3A, %sign3A : i32
    %sign3A_2 = arith.extui %sign3A_1 : i1 to i32
    %sign3A_3 = arith.constant 0 : i32
    %sign3A_4 = arith.cmpi slt, %add3A, %sign3A_3 : i32
    %sign3A_5 = arith.extui %sign3A_4 : i1 to i32
    %sign3A_6 = arith.subi %sign3A_2, %sign3A_5 : i32
    %sign3A_7 = arith.constant 0 : i32
    %sign3A_8 = arith.cmpi sgt, %jit3A, %sign3A_7 : i32
    %sign3A_9 = arith.extui %sign3A_8 : i1 to i32
    %sign3A_10 = arith.constant 0 : i32
    %sign3A_11 = arith.cmpi slt, %jit3A, %sign3A_10 : i32
    %sign3A_12 = arith.extui %sign3A_11 : i1 to i32
    %sign3A_13 = arith.subi %sign3A_9, %sign3A_12 : i32
    %ne3A = arith.cmpi ne, %sign3A_6, %sign3A_13 : i32
    %rem3A = arith.remsi %add3A, %jit3A : i32
    %ne3A_14 = arith.constant 0 : i32
    %ne3A_15 = arith.cmpi ne, %rem3A, %ne3A_14 : i32
    %and3A = arith.andi %ne3A, %ne3A_15 : i1
    %sub3A = arith.constant 1 : i32
    %sub3A_16 = arith.subi %div3A, %sub3A : i32
    %select_n3A = arith.select %and3A, %sub3A_16, %div3A : i32
    %jit3A_17 = arith.constant 8 : i32
    %eq3A = arith.constant 0 : i32
    %eq3A_18 = arith.cmpi eq, %jit3A_17, %eq3A : i32
    %jit3A_19 = arith.constant 1 : i32
    %select_n3A_20 = arith.select %eq3A_18, %jit3A_19, %jit3A_17 : i32
    %rem3A_21 = arith.remsi %add3A, %select_n3A_20 : i32
    %ne3A_22 = arith.constant 0 : i32
    %ne3A_23 = arith.cmpi ne, %rem3A_21, %ne3A_22 : i32
    %lt3A = arith.constant 0 : i32
    %lt3A_24 = arith.cmpi slt, %rem3A_21, %lt3A : i32
    %lt3A_25 = arith.constant 0 : i32
    %lt3A_26 = arith.cmpi slt, %select_n3A_20, %lt3A_25 : i32
    %ne3A_27 = arith.xori %lt3A_24, %lt3A_26 : i1
    %and3A_28 = arith.andi %ne3A_27, %ne3A_23 : i1
    %add3A_29 = arith.addi %rem3A_21, %select_n3A_20 : i32
    %select_n3A_30 = arith.select %and3A_28, %add3A_29, %rem3A_21 : i32
    %mul3A_31 = arith.constant 31 : i32
    %mul3A_32 = arith.muli %select_n3A_30, %mul3A_31 : i32
    %jit3A_33 = arith.constant 7 : i32
    %div3A_34 = arith.divsi %mul3A_32, %jit3A_33 : i32
    %sign3A_35 = arith.constant 0 : i32
    %sign3A_36 = arith.cmpi sgt, %mul3A_32, %sign3A_35 : i32
    %sign3A_37 = arith.extui %sign3A_36 : i1 to i32
    %sign3A_38 = arith.constant 0 : i32
    %sign3A_39 = arith.cmpi slt, %mul3A_32, %sign3A_38 : i32
    %sign3A_40 = arith.extui %sign3A_39 : i1 to i32
    %sign3A_41 = arith.subi %sign3A_37, %sign3A_40 : i32
    %sign3A_42 = arith.constant 0 : i32
    %sign3A_43 = arith.cmpi sgt, %jit3A_33, %sign3A_42 : i32
    %sign3A_44 = arith.extui %sign3A_43 : i1 to i32
    %sign3A_45 = arith.constant 0 : i32
    %sign3A_46 = arith.cmpi slt, %jit3A_33, %sign3A_45 : i32
    %sign3A_47 = arith.extui %sign3A_46 : i1 to i32
    %sign3A_48 = arith.subi %sign3A_44, %sign3A_47 : i32
    %ne3A_49 = arith.cmpi ne, %sign3A_41, %sign3A_48 : i32
    %rem3A_50 = arith.remsi %mul3A_32, %jit3A_33 : i32
    %ne3A_51 = arith.constant 0 : i32
    %ne3A_52 = arith.cmpi ne, %rem3A_50, %ne3A_51 : i32
    %and3A_53 = arith.andi %ne3A_49, %ne3A_52 : i1
    %sub3A_54 = arith.constant 1 : i32
    %sub3A_55 = arith.subi %div3A_34, %sub3A_54 : i32
    %select_n3A_56 = arith.select %and3A_53, %sub3A_55, %div3A_34 : i32
    %dma_start3A = arith.constant 0 : i32
    %dma_start3A_57 = arith.constant 0 : i32
    %dma_start3A_58 = arith.constant 0 : i32
    %dma_start3A_59 = arith.constant 0 : i32
    %dma_start3A_60 = tpu.memref_slice %arg4[%dma_start3A_57, %dma_start3A_58, %dma_start3A_59] : memref<2x224x224xf32, #tpu.memory_space<vmem>> -> memref<1x224x224xf32, #tpu.memory_space<vmem>>
    %dma_start3A_61 = tpu.memref_squeeze %dma_start3A_60 : memref<1x224x224xf32, #tpu.memory_space<vmem>> -> memref<224x224xf32, #tpu.memory_space<vmem>>
    %dma_start3A_62 = arith.constant 0 : i32
    %dma_start3A_63 = arith.constant 0 : i32
    %dma_start3A_64 = tpu.memref_slice %arg2[%select_n3A, %select_n3A_56, %dma_start3A, %dma_start3A_62, %dma_start3A_63] : memref<4x32x3x224x224xf32, #tpu.memory_space<hbm>> -> memref<1x1x1x224x224xf32, #tpu.memory_space<hbm>>
    %dma_start3A_65 = tpu.memref_squeeze %dma_start3A_64 : memref<1x1x1x224x224xf32, #tpu.memory_space<hbm>> -> memref<224x224xf32, #tpu.memory_space<hbm>>
    %dma_start3A_66 = arith.constant 0 : i32
    %dma_start3A_67 = arith.constant 0 : i32
    %dma_start3A_68 = tpu.memref_slice %arg4[%dma_start3A_57, %dma_start3A_66, %dma_start3A_67] : memref<2x224x224xf32, #tpu.memory_space<vmem>> -> memref<1x224x224xf32, #tpu.memory_space<vmem>>
    %dma_start3A_69 = tpu.memref_squeeze %dma_start3A_68 : memref<1x224x224xf32, #tpu.memory_space<vmem>> -> memref<224x224xf32, #tpu.memory_space<vmem>>
    %dma_start3A_70 = arith.constant 0 : i32
    %dma_start3A_71 = arith.constant 0 : i32
    %dma_start3A_72 = tpu.memref_slice %arg2[%select_n3A, %select_n3A_56, %dma_start3A, %dma_start3A_70, %dma_start3A_71] : memref<4x32x3x224x224xf32, #tpu.memory_space<hbm>> -> memref<1x1x1x224x224xf32, #tpu.memory_space<hbm>>
    %dma_start3A_73 = tpu.memref_squeeze %dma_start3A_72 : memref<1x1x1x224x224xf32, #tpu.memory_space<hbm>> -> memref<224x224xf32, #tpu.memory_space<hbm>>
    tpu.enqueue_dma source(%dma_start3A_73 : memref<224x224xf32, #tpu.memory_space<hbm>>) target(%dma_start3A_69 : memref<224x224xf32, #tpu.memory_space<vmem>>) target_semaphore(%arg5 : memref<!tpu.dma_semaphore, #tpu.memory_space<semaphore_mem>>)
    %dma_start3A_74 = arith.constant 1 : i32
    %dma_start3A_75 = arith.constant 1 : i32
    %dma_start3A_76 = arith.constant 0 : i32
    %dma_start3A_77 = arith.constant 0 : i32
    %dma_start3A_78 = tpu.memref_slice %arg4[%dma_start3A_75, %dma_start3A_76, %dma_start3A_77] : memref<2x224x224xf32, #tpu.memory_space<vmem>> -> memref<1x224x224xf32, #tpu.memory_space<vmem>>
    %dma_start3A_79 = tpu.memref_squeeze %dma_start3A_78 : memref<1x224x224xf32, #tpu.memory_space<vmem>> -> memref<224x224xf32, #tpu.memory_space<vmem>>
    %dma_start3A_80 = arith.constant 0 : i32
    %dma_start3A_81 = arith.constant 0 : i32
    %dma_start3A_82 = tpu.memref_slice %arg2[%select_n3A, %select_n3A_56, %dma_start3A_74, %dma_start3A_80, %dma_start3A_81] : memref<4x32x3x224x224xf32, #tpu.memory_space<hbm>> -> memref<1x1x1x224x224xf32, #tpu.memory_space<hbm>>
    %dma_start3A_83 = tpu.memref_squeeze %dma_start3A_82 : memref<1x1x1x224x224xf32, #tpu.memory_space<hbm>> -> memref<224x224xf32, #tpu.memory_space<hbm>>
    %dma_start3A_84 = arith.constant 0 : i32
    %dma_start3A_85 = arith.constant 0 : i32
    %dma_start3A_86 = tpu.memref_slice %arg4[%dma_start3A_75, %dma_start3A_84, %dma_start3A_85] : memref<2x224x224xf32, #tpu.memory_space<vmem>> -> memref<1x224x224xf32, #tpu.memory_space<vmem>>
    %dma_start3A_87 = tpu.memref_squeeze %dma_start3A_86 : memref<1x224x224xf32, #tpu.memory_space<vmem>> -> memref<224x224xf32, #tpu.memory_space<vmem>>
    %dma_start3A_88 = arith.constant 0 : i32
    %dma_start3A_89 = arith.constant 0 : i32
    %dma_start3A_90 = tpu.memref_slice %arg2[%select_n3A, %select_n3A_56, %dma_start3A_74, %dma_start3A_88, %dma_start3A_89] : memref<4x32x3x224x224xf32, #tpu.memory_space<hbm>> -> memref<1x1x1x224x224xf32, #tpu.memory_space<hbm>>
    %dma_start3A_91 = tpu.memref_squeeze %dma_start3A_90 : memref<1x1x1x224x224xf32, #tpu.memory_space<hbm>> -> memref<224x224xf32, #tpu.memory_space<hbm>>
    tpu.enqueue_dma source(%dma_start3A_91 : memref<224x224xf32, #tpu.memory_space<hbm>>) target(%dma_start3A_87 : memref<224x224xf32, #tpu.memory_space<vmem>>) target_semaphore(%arg6 : memref<!tpu.dma_semaphore, #tpu.memory_space<semaphore_mem>>)
    %dma_wait3A = arith.constant 0 : i32
    %dma_wait3A_92 = arith.constant 0 : i32
    %dma_wait3A_93 = arith.constant 0 : i32
    %dma_wait3A_94 = arith.constant 0 : i32
    %dma_wait3A_95 = tpu.memref_slice %arg4[%dma_wait3A_92, %dma_wait3A_93, %dma_wait3A_94] : memref<2x224x224xf32, #tpu.memory_space<vmem>> -> memref<1x224x224xf32, #tpu.memory_space<vmem>>
    %dma_wait3A_96 = tpu.memref_squeeze %dma_wait3A_95 : memref<1x224x224xf32, #tpu.memory_space<vmem>> -> memref<224x224xf32, #tpu.memory_space<vmem>>
    %dma_wait3A_97 = arith.constant 0 : i32
    %dma_wait3A_98 = arith.constant 0 : i32
    %dma_wait3A_99 = tpu.memref_slice %arg2[%select_n3A, %select_n3A_56, %dma_wait3A, %dma_wait3A_97, %dma_wait3A_98] : memref<4x32x3x224x224xf32, #tpu.memory_space<hbm>> -> memref<1x1x1x224x224xf32, #tpu.memory_space<hbm>>
    %dma_wait3A_100 = tpu.memref_squeeze %dma_wait3A_99 : memref<1x1x1x224x224xf32, #tpu.memory_space<hbm>> -> memref<224x224xf32, #tpu.memory_space<hbm>>
    %dma_wait3A_101 = arith.constant 0 : i32
    %dma_wait3A_102 = arith.constant 0 : i32
    %dma_wait3A_103 = tpu.memref_slice %arg4[%dma_wait3A_92, %dma_wait3A_101, %dma_wait3A_102] : memref<2x224x224xf32, #tpu.memory_space<vmem>> -> memref<1x224x224xf32, #tpu.memory_space<vmem>>
    %dma_wait3A_104 = tpu.memref_squeeze %dma_wait3A_103 : memref<1x224x224xf32, #tpu.memory_space<vmem>> -> memref<224x224xf32, #tpu.memory_space<vmem>>
    %dma_wait3A_105 = arith.constant 0 : i32
    %dma_wait3A_106 = arith.constant 0 : i32
    %dma_wait3A_107 = tpu.memref_slice %arg2[%select_n3A, %select_n3A_56, %dma_wait3A, %dma_wait3A_105, %dma_wait3A_106] : memref<4x32x3x224x224xf32, #tpu.memory_space<hbm>> -> memref<1x1x1x224x224xf32, #tpu.memory_space<hbm>>
    %dma_wait3A_108 = tpu.memref_squeeze %dma_wait3A_107 : memref<1x1x1x224x224xf32, #tpu.memory_space<hbm>> -> memref<224x224xf32, #tpu.memory_space<hbm>>
    tpu.wait_dma2 semaphore(%arg5 : memref<!tpu.dma_semaphore, #tpu.memory_space<semaphore_mem>>) src(%dma_wait3A_108 : memref<224x224xf32, #tpu.memory_space<hbm>>) dst(%dma_wait3A_104 : memref<224x224xf32, #tpu.memory_space<vmem>>)
    %dma_start3A_109 = arith.constant 0 : i32
    %dma_start3A_110 = arith.constant 0 : i32
    %dma_start3A_111 = arith.constant 0 : i32
    %dma_start3A_112 = arith.constant 0 : i32
    %dma_start3A_113 = tpu.memref_slice %arg4[%dma_start3A_109, %dma_start3A_111, %dma_start3A_112] : memref<2x224x224xf32, #tpu.memory_space<vmem>> -> memref<1x224x224xf32, #tpu.memory_space<vmem>>
    %dma_start3A_114 = tpu.memref_squeeze %dma_start3A_113 : memref<1x224x224xf32, #tpu.memory_space<vmem>> -> memref<224x224xf32, #tpu.memory_space<vmem>>
    %dma_start3A_115 = arith.constant 0 : i32
    %dma_start3A_116 = arith.constant 0 : i32
    %dma_start3A_117 = tpu.memref_slice %arg3[%select_n3A, %select_n3A_30, %dma_start3A_110, %dma_start3A_115, %dma_start3A_116] : memref<4x8x3x224x224xf32, #tpu.memory_space<hbm>> -> memref<1x1x1x224x224xf32, #tpu.memory_space<hbm>>
    %dma_start3A_118 = tpu.memref_squeeze %dma_start3A_117 : memref<1x1x1x224x224xf32, #tpu.memory_space<hbm>> -> memref<224x224xf32, #tpu.memory_space<hbm>>
    %dma_start3A_119 = arith.constant 0 : i32
    %dma_start3A_120 = arith.constant 0 : i32
    %dma_start3A_121 = tpu.memref_slice %arg3[%select_n3A, %select_n3A_30, %dma_start3A_110, %dma_start3A_119, %dma_start3A_120] : memref<4x8x3x224x224xf32, #tpu.memory_space<hbm>> -> memref<1x1x1x224x224xf32, #tpu.memory_space<hbm>>
    %dma_start3A_122 = tpu.memref_squeeze %dma_start3A_121 : memref<1x1x1x224x224xf32, #tpu.memory_space<hbm>> -> memref<224x224xf32, #tpu.memory_space<hbm>>
    %dma_start3A_123 = arith.constant 0 : i32
    %dma_start3A_124 = arith.constant 0 : i32
    %dma_start3A_125 = tpu.memref_slice %arg4[%dma_start3A_109, %dma_start3A_123, %dma_start3A_124] : memref<2x224x224xf32, #tpu.memory_space<vmem>> -> memref<1x224x224xf32, #tpu.memory_space<vmem>>
    %dma_start3A_126 = tpu.memref_squeeze %dma_start3A_125 : memref<1x224x224xf32, #tpu.memory_space<vmem>> -> memref<224x224xf32, #tpu.memory_space<vmem>>
    tpu.enqueue_dma source(%dma_start3A_126 : memref<224x224xf32, #tpu.memory_space<vmem>>) target(%dma_start3A_122 : memref<224x224xf32, #tpu.memory_space<hbm>>) target_semaphore(%arg7 : memref<!tpu.dma_semaphore, #tpu.memory_space<semaphore_mem>>)
    %dma_wait3A_127 = arith.constant 0 : i32
    %dma_wait3A_128 = arith.constant 0 : i32
    %dma_wait3A_129 = arith.constant 0 : i32
    %dma_wait3A_130 = arith.constant 0 : i32
    %dma_wait3A_131 = tpu.memref_slice %arg4[%dma_wait3A_127, %dma_wait3A_129, %dma_wait3A_130] : memref<2x224x224xf32, #tpu.memory_space<vmem>> -> memref<1x224x224xf32, #tpu.memory_space<vmem>>
    %dma_wait3A_132 = tpu.memref_squeeze %dma_wait3A_131 : memref<1x224x224xf32, #tpu.memory_space<vmem>> -> memref<224x224xf32, #tpu.memory_space<vmem>>
    %dma_wait3A_133 = arith.constant 0 : i32
    %dma_wait3A_134 = arith.constant 0 : i32
    %dma_wait3A_135 = tpu.memref_slice %arg3[%select_n3A, %select_n3A_30, %dma_wait3A_128, %dma_wait3A_133, %dma_wait3A_134] : memref<4x8x3x224x224xf32, #tpu.memory_space<hbm>> -> memref<1x1x1x224x224xf32, #tpu.memory_space<hbm>>
    %dma_wait3A_136 = tpu.memref_squeeze %dma_wait3A_135 : memref<1x1x1x224x224xf32, #tpu.memory_space<hbm>> -> memref<224x224xf32, #tpu.memory_space<hbm>>
    %dma_wait3A_137 = arith.constant 0 : i32
    %dma_wait3A_138 = arith.constant 0 : i32
    %dma_wait3A_139 = tpu.memref_slice %arg3[%select_n3A, %select_n3A_30, %dma_wait3A_128, %dma_wait3A_137, %dma_wait3A_138] : memref<4x8x3x224x224xf32, #tpu.memory_space<hbm>> -> memref<1x1x1x224x224xf32, #tpu.memory_space<hbm>>
    %dma_wait3A_140 = tpu.memref_squeeze %dma_wait3A_139 : memref<1x1x1x224x224xf32, #tpu.memory_space<hbm>> -> memref<224x224xf32, #tpu.memory_space<hbm>>
    %dma_wait3A_141 = arith.constant 0 : i32
    %dma_wait3A_142 = arith.constant 0 : i32
    %dma_wait3A_143 = tpu.memref_slice %arg4[%dma_wait3A_127, %dma_wait3A_141, %dma_wait3A_142] : memref<2x224x224xf32, #tpu.memory_space<vmem>> -> memref<1x224x224xf32, #tpu.memory_space<vmem>>
    %dma_wait3A_144 = tpu.memref_squeeze %dma_wait3A_143 : memref<1x224x224xf32, #tpu.memory_space<vmem>> -> memref<224x224xf32, #tpu.memory_space<vmem>>
    tpu.wait_dma2 semaphore(%arg7 : memref<!tpu.dma_semaphore, #tpu.memory_space<semaphore_mem>>) src(%dma_wait3A_144 : memref<224x224xf32, #tpu.memory_space<vmem>>) dst(%dma_wait3A_140 : memref<224x224xf32, #tpu.memory_space<hbm>>)
    %dma_start3A_145 = arith.constant 2 : i32
    %dma_start3A_146 = arith.constant 0 : i32
    %dma_start3A_147 = arith.constant 0 : i32
    %dma_start3A_148 = arith.constant 0 : i32
    %dma_start3A_149 = tpu.memref_slice %arg4[%dma_start3A_146, %dma_start3A_147, %dma_start3A_148] : memref<2x224x224xf32, #tpu.memory_space<vmem>> -> memref<1x224x224xf32, #tpu.memory_space<vmem>>
    %dma_start3A_150 = tpu.memref_squeeze %dma_start3A_149 : memref<1x224x224xf32, #tpu.memory_space<vmem>> -> memref<224x224xf32, #tpu.memory_space<vmem>>
    %dma_start3A_151 = arith.constant 0 : i32
    %dma_start3A_152 = arith.constant 0 : i32
    %dma_start3A_153 = tpu.memref_slice %arg2[%select_n3A, %select_n3A_56, %dma_start3A_145, %dma_start3A_151, %dma_start3A_152] : memref<4x32x3x224x224xf32, #tpu.memory_space<hbm>> -> memref<1x1x1x224x224xf32, #tpu.memory_space<hbm>>
    %dma_start3A_154 = tpu.memref_squeeze %dma_start3A_153 : memref<1x1x1x224x224xf32, #tpu.memory_space<hbm>> -> memref<224x224xf32, #tpu.memory_space<hbm>>
    %dma_start3A_155 = arith.constant 0 : i32
    %dma_start3A_156 = arith.constant 0 : i32
    %dma_start3A_157 = tpu.memref_slice %arg4[%dma_start3A_146, %dma_start3A_155, %dma_start3A_156] : memref<2x224x224xf32, #tpu.memory_space<vmem>> -> memref<1x224x224xf32, #tpu.memory_space<vmem>>
    %dma_start3A_158 = tpu.memref_squeeze %dma_start3A_157 : memref<1x224x224xf32, #tpu.memory_space<vmem>> -> memref<224x224xf32, #tpu.memory_space<vmem>>
    %dma_start3A_159 = arith.constant 0 : i32
    %dma_start3A_160 = arith.constant 0 : i32
    %dma_start3A_161 = tpu.memref_slice %arg2[%select_n3A, %select_n3A_56, %dma_start3A_145, %dma_start3A_159, %dma_start3A_160] : memref<4x32x3x224x224xf32, #tpu.memory_space<hbm>> -> memref<1x1x1x224x224xf32, #tpu.memory_space<hbm>>
    %dma_start3A_162 = tpu.memref_squeeze %dma_start3A_161 : memref<1x1x1x224x224xf32, #tpu.memory_space<hbm>> -> memref<224x224xf32, #tpu.memory_space<hbm>>
    tpu.enqueue_dma source(%dma_start3A_162 : memref<224x224xf32, #tpu.memory_space<hbm>>) target(%dma_start3A_158 : memref<224x224xf32, #tpu.memory_space<vmem>>) target_semaphore(%arg5 : memref<!tpu.dma_semaphore, #tpu.memory_space<semaphore_mem>>)
    %dma_wait3A_163 = arith.constant 1 : i32
    %dma_wait3A_164 = arith.constant 1 : i32
    %dma_wait3A_165 = arith.constant 0 : i32
    %dma_wait3A_166 = arith.constant 0 : i32
    %dma_wait3A_167 = tpu.memref_slice %arg4[%dma_wait3A_164, %dma_wait3A_165, %dma_wait3A_166] : memref<2x224x224xf32, #tpu.memory_space<vmem>> -> memref<1x224x224xf32, #tpu.memory_space<vmem>>
    %dma_wait3A_168 = tpu.memref_squeeze %dma_wait3A_167 : memref<1x224x224xf32, #tpu.memory_space<vmem>> -> memref<224x224xf32, #tpu.memory_space<vmem>>
    %dma_wait3A_169 = arith.constant 0 : i32
    %dma_wait3A_170 = arith.constant 0 : i32
    %dma_wait3A_171 = tpu.memref_slice %arg2[%select_n3A, %select_n3A_56, %dma_wait3A_163, %dma_wait3A_169, %dma_wait3A_170] : memref<4x32x3x224x224xf32, #tpu.memory_space<hbm>> -> memref<1x1x1x224x224xf32, #tpu.memory_space<hbm>>
    %dma_wait3A_172 = tpu.memref_squeeze %dma_wait3A_171 : memref<1x1x1x224x224xf32, #tpu.memory_space<hbm>> -> memref<224x224xf32, #tpu.memory_space<hbm>>
    %dma_wait3A_173 = arith.constant 0 : i32
    %dma_wait3A_174 = arith.constant 0 : i32
    %dma_wait3A_175 = tpu.memref_slice %arg4[%dma_wait3A_164, %dma_wait3A_173, %dma_wait3A_174] : memref<2x224x224xf32, #tpu.memory_space<vmem>> -> memref<1x224x224xf32, #tpu.memory_space<vmem>>
    %dma_wait3A_176 = tpu.memref_squeeze %dma_wait3A_175 : memref<1x224x224xf32, #tpu.memory_space<vmem>> -> memref<224x224xf32, #tpu.memory_space<vmem>>
    %dma_wait3A_177 = arith.constant 0 : i32
    %dma_wait3A_178 = arith.constant 0 : i32
    %dma_wait3A_179 = tpu.memref_slice %arg2[%select_n3A, %select_n3A_56, %dma_wait3A_163, %dma_wait3A_177, %dma_wait3A_178] : memref<4x32x3x224x224xf32, #tpu.memory_space<hbm>> -> memref<1x1x1x224x224xf32, #tpu.memory_space<hbm>>
    %dma_wait3A_180 = tpu.memref_squeeze %dma_wait3A_179 : memref<1x1x1x224x224xf32, #tpu.memory_space<hbm>> -> memref<224x224xf32, #tpu.memory_space<hbm>>
    tpu.wait_dma2 semaphore(%arg6 : memref<!tpu.dma_semaphore, #tpu.memory_space<semaphore_mem>>) src(%dma_wait3A_180 : memref<224x224xf32, #tpu.memory_space<hbm>>) dst(%dma_wait3A_176 : memref<224x224xf32, #tpu.memory_space<vmem>>)
    %dma_start3A_181 = arith.constant 1 : i32
    %dma_start3A_182 = arith.constant 1 : i32
    %dma_start3A_183 = arith.constant 0 : i32
    %dma_start3A_184 = arith.constant 0 : i32
    %dma_start3A_185 = tpu.memref_slice %arg4[%dma_start3A_181, %dma_start3A_183, %dma_start3A_184] : memref<2x224x224xf32, #tpu.memory_space<vmem>> -> memref<1x224x224xf32, #tpu.memory_space<vmem>>
    %dma_start3A_186 = tpu.memref_squeeze %dma_start3A_185 : memref<1x224x224xf32, #tpu.memory_space<vmem>> -> memref<224x224xf32, #tpu.memory_space<vmem>>
    %dma_start3A_187 = arith.constant 0 : i32
    %dma_start3A_188 = arith.constant 0 : i32
    %dma_start3A_189 = tpu.memref_slice %arg3[%select_n3A, %select_n3A_30, %dma_start3A_182, %dma_start3A_187, %dma_start3A_188] : memref<4x8x3x224x224xf32, #tpu.memory_space<hbm>> -> memref<1x1x1x224x224xf32, #tpu.memory_space<hbm>>
    %dma_start3A_190 = tpu.memref_squeeze %dma_start3A_189 : memref<1x1x1x224x224xf32, #tpu.memory_space<hbm>> -> memref<224x224xf32, #tpu.memory_space<hbm>>
    %dma_start3A_191 = arith.constant 0 : i32
    %dma_start3A_192 = arith.constant 0 : i32
    %dma_start3A_193 = tpu.memref_slice %arg3[%select_n3A, %select_n3A_30, %dma_start3A_182, %dma_start3A_191, %dma_start3A_192] : memref<4x8x3x224x224xf32, #tpu.memory_space<hbm>> -> memref<1x1x1x224x224xf32, #tpu.memory_space<hbm>>
    %dma_start3A_194 = tpu.memref_squeeze %dma_start3A_193 : memref<1x1x1x224x224xf32, #tpu.memory_space<hbm>> -> memref<224x224xf32, #tpu.memory_space<hbm>>
    %dma_start3A_195 = arith.constant 0 : i32
    %dma_start3A_196 = arith.constant 0 : i32
    %dma_start3A_197 = tpu.memref_slice %arg4[%dma_start3A_181, %dma_start3A_195, %dma_start3A_196] : memref<2x224x224xf32, #tpu.memory_space<vmem>> -> memref<1x224x224xf32, #tpu.memory_space<vmem>>
    %dma_start3A_198 = tpu.memref_squeeze %dma_start3A_197 : memref<1x224x224xf32, #tpu.memory_space<vmem>> -> memref<224x224xf32, #tpu.memory_space<vmem>>
    tpu.enqueue_dma source(%dma_start3A_198 : memref<224x224xf32, #tpu.memory_space<vmem>>) target(%dma_start3A_194 : memref<224x224xf32, #tpu.memory_space<hbm>>) target_semaphore(%arg8 : memref<!tpu.dma_semaphore, #tpu.memory_space<semaphore_mem>>)
    %dma_wait3A_199 = arith.constant 2 : i32
    %dma_wait3A_200 = arith.constant 0 : i32
    %dma_wait3A_201 = arith.constant 0 : i32
    %dma_wait3A_202 = arith.constant 0 : i32
    %dma_wait3A_203 = tpu.memref_slice %arg4[%dma_wait3A_200, %dma_wait3A_201, %dma_wait3A_202] : memref<2x224x224xf32, #tpu.memory_space<vmem>> -> memref<1x224x224xf32, #tpu.memory_space<vmem>>
    %dma_wait3A_204 = tpu.memref_squeeze %dma_wait3A_203 : memref<1x224x224xf32, #tpu.memory_space<vmem>> -> memref<224x224xf32, #tpu.memory_space<vmem>>
    %dma_wait3A_205 = arith.constant 0 : i32
    %dma_wait3A_206 = arith.constant 0 : i32
    %dma_wait3A_207 = tpu.memref_slice %arg2[%select_n3A, %select_n3A_56, %dma_wait3A_199, %dma_wait3A_205, %dma_wait3A_206] : memref<4x32x3x224x224xf32, #tpu.memory_space<hbm>> -> memref<1x1x1x224x224xf32, #tpu.memory_space<hbm>>
    %dma_wait3A_208 = tpu.memref_squeeze %dma_wait3A_207 : memref<1x1x1x224x224xf32, #tpu.memory_space<hbm>> -> memref<224x224xf32, #tpu.memory_space<hbm>>
    %dma_wait3A_209 = arith.constant 0 : i32
    %dma_wait3A_210 = arith.constant 0 : i32
    %dma_wait3A_211 = tpu.memref_slice %arg4[%dma_wait3A_200, %dma_wait3A_209, %dma_wait3A_210] : memref<2x224x224xf32, #tpu.memory_space<vmem>> -> memref<1x224x224xf32, #tpu.memory_space<vmem>>
    %dma_wait3A_212 = tpu.memref_squeeze %dma_wait3A_211 : memref<1x224x224xf32, #tpu.memory_space<vmem>> -> memref<224x224xf32, #tpu.memory_space<vmem>>
    %dma_wait3A_213 = arith.constant 0 : i32
    %dma_wait3A_214 = arith.constant 0 : i32
    %dma_wait3A_215 = tpu.memref_slice %arg2[%select_n3A, %select_n3A_56, %dma_wait3A_199, %dma_wait3A_213, %dma_wait3A_214] : memref<4x32x3x224x224xf32, #tpu.memory_space<hbm>> -> memref<1x1x1x224x224xf32, #tpu.memory_space<hbm>>
    %dma_wait3A_216 = tpu.memref_squeeze %dma_wait3A_215 : memref<1x1x1x224x224xf32, #tpu.memory_space<hbm>> -> memref<224x224xf32, #tpu.memory_space<hbm>>
    tpu.wait_dma2 semaphore(%arg5 : memref<!tpu.dma_semaphore, #tpu.memory_space<semaphore_mem>>) src(%dma_wait3A_216 : memref<224x224xf32, #tpu.memory_space<hbm>>) dst(%dma_wait3A_212 : memref<224x224xf32, #tpu.memory_space<vmem>>)
    %dma_start3A_217 = arith.constant 0 : i32
    %dma_start3A_218 = arith.constant 2 : i32
    %dma_start3A_219 = arith.constant 0 : i32
    %dma_start3A_220 = arith.constant 0 : i32
    %dma_start3A_221 = tpu.memref_slice %arg4[%dma_start3A_217, %dma_start3A_219, %dma_start3A_220] : memref<2x224x224xf32, #tpu.memory_space<vmem>> -> memref<1x224x224xf32, #tpu.memory_space<vmem>>
    %dma_start3A_222 = tpu.memref_squeeze %dma_start3A_221 : memref<1x224x224xf32, #tpu.memory_space<vmem>> -> memref<224x224xf32, #tpu.memory_space<vmem>>
    %dma_start3A_223 = arith.constant 0 : i32
    %dma_start3A_224 = arith.constant 0 : i32
    %dma_start3A_225 = tpu.memref_slice %arg3[%select_n3A, %select_n3A_30, %dma_start3A_218, %dma_start3A_223, %dma_start3A_224] : memref<4x8x3x224x224xf32, #tpu.memory_space<hbm>> -> memref<1x1x1x224x224xf32, #tpu.memory_space<hbm>>
    %dma_start3A_226 = tpu.memref_squeeze %dma_start3A_225 : memref<1x1x1x224x224xf32, #tpu.memory_space<hbm>> -> memref<224x224xf32, #tpu.memory_space<hbm>>
    %dma_start3A_227 = arith.constant 0 : i32
    %dma_start3A_228 = arith.constant 0 : i32
    %dma_start3A_229 = tpu.memref_slice %arg3[%select_n3A, %select_n3A_30, %dma_start3A_218, %dma_start3A_227, %dma_start3A_228] : memref<4x8x3x224x224xf32, #tpu.memory_space<hbm>> -> memref<1x1x1x224x224xf32, #tpu.memory_space<hbm>>
    %dma_start3A_230 = tpu.memref_squeeze %dma_start3A_229 : memref<1x1x1x224x224xf32, #tpu.memory_space<hbm>> -> memref<224x224xf32, #tpu.memory_space<hbm>>
    %dma_start3A_231 = arith.constant 0 : i32
    %dma_start3A_232 = arith.constant 0 : i32
    %dma_start3A_233 = tpu.memref_slice %arg4[%dma_start3A_217, %dma_start3A_231, %dma_start3A_232] : memref<2x224x224xf32, #tpu.memory_space<vmem>> -> memref<1x224x224xf32, #tpu.memory_space<vmem>>
    %dma_start3A_234 = tpu.memref_squeeze %dma_start3A_233 : memref<1x224x224xf32, #tpu.memory_space<vmem>> -> memref<224x224xf32, #tpu.memory_space<vmem>>
    tpu.enqueue_dma source(%dma_start3A_234 : memref<224x224xf32, #tpu.memory_space<vmem>>) target(%dma_start3A_230 : memref<224x224xf32, #tpu.memory_space<hbm>>) target_semaphore(%arg7 : memref<!tpu.dma_semaphore, #tpu.memory_space<semaphore_mem>>)
    %dma_wait3A_235 = arith.constant 1 : i32
    %dma_wait3A_236 = arith.constant 1 : i32
    %dma_wait3A_237 = arith.constant 0 : i32
    %dma_wait3A_238 = arith.constant 0 : i32
    %dma_wait3A_239 = tpu.memref_slice %arg4[%dma_wait3A_235, %dma_wait3A_237, %dma_wait3A_238] : memref<2x224x224xf32, #tpu.memory_space<vmem>> -> memref<1x224x224xf32, #tpu.memory_space<vmem>>
    %dma_wait3A_240 = tpu.memref_squeeze %dma_wait3A_239 : memref<1x224x224xf32, #tpu.memory_space<vmem>> -> memref<224x224xf32, #tpu.memory_space<vmem>>
    %dma_wait3A_241 = arith.constant 0 : i32
    %dma_wait3A_242 = arith.constant 0 : i32
    %dma_wait3A_243 = tpu.memref_slice %arg3[%select_n3A, %select_n3A_30, %dma_wait3A_236, %dma_wait3A_241, %dma_wait3A_242] : memref<4x8x3x224x224xf32, #tpu.memory_space<hbm>> -> memref<1x1x1x224x224xf32, #tpu.memory_space<hbm>>
    %dma_wait3A_244 = tpu.memref_squeeze %dma_wait3A_243 : memref<1x1x1x224x224xf32, #tpu.memory_space<hbm>> -> memref<224x224xf32, #tpu.memory_space<hbm>>
    %dma_wait3A_245 = arith.constant 0 : i32
    %dma_wait3A_246 = arith.constant 0 : i32
    %dma_wait3A_247 = tpu.memref_slice %arg3[%select_n3A, %select_n3A_30, %dma_wait3A_236, %dma_wait3A_245, %dma_wait3A_246] : memref<4x8x3x224x224xf32, #tpu.memory_space<hbm>> -> memref<1x1x1x224x224xf32, #tpu.memory_space<hbm>>
    %dma_wait3A_248 = tpu.memref_squeeze %dma_wait3A_247 : memref<1x1x1x224x224xf32, #tpu.memory_space<hbm>> -> memref<224x224xf32, #tpu.memory_space<hbm>>
    %dma_wait3A_249 = arith.constant 0 : i32
    %dma_wait3A_250 = arith.constant 0 : i32
    %dma_wait3A_251 = tpu.memref_slice %arg4[%dma_wait3A_235, %dma_wait3A_249, %dma_wait3A_250] : memref<2x224x224xf32, #tpu.memory_space<vmem>> -> memref<1x224x224xf32, #tpu.memory_space<vmem>>
    %dma_wait3A_252 = tpu.memref_squeeze %dma_wait3A_251 : memref<1x224x224xf32, #tpu.memory_space<vmem>> -> memref<224x224xf32, #tpu.memory_space<vmem>>
    tpu.wait_dma2 semaphore(%arg8 : memref<!tpu.dma_semaphore, #tpu.memory_space<semaphore_mem>>) src(%dma_wait3A_252 : memref<224x224xf32, #tpu.memory_space<vmem>>) dst(%dma_wait3A_248 : memref<224x224xf32, #tpu.memory_space<hbm>>)
    %dma_wait3A_253 = arith.constant 0 : i32
    %dma_wait3A_254 = arith.constant 2 : i32
    %dma_wait3A_255 = arith.constant 0 : i32
    %dma_wait3A_256 = arith.constant 0 : i32
    %dma_wait3A_257 = tpu.memref_slice %arg4[%dma_wait3A_253, %dma_wait3A_255, %dma_wait3A_256] : memref<2x224x224xf32, #tpu.memory_space<vmem>> -> memref<1x224x224xf32, #tpu.memory_space<vmem>>
    %dma_wait3A_258 = tpu.memref_squeeze %dma_wait3A_257 : memref<1x224x224xf32, #tpu.memory_space<vmem>> -> memref<224x224xf32, #tpu.memory_space<vmem>>
    %dma_wait3A_259 = arith.constant 0 : i32
    %dma_wait3A_260 = arith.constant 0 : i32
    %dma_wait3A_261 = tpu.memref_slice %arg3[%select_n3A, %select_n3A_30, %dma_wait3A_254, %dma_wait3A_259, %dma_wait3A_260] : memref<4x8x3x224x224xf32, #tpu.memory_space<hbm>> -> memref<1x1x1x224x224xf32, #tpu.memory_space<hbm>>
    %dma_wait3A_262 = tpu.memref_squeeze %dma_wait3A_261 : memref<1x1x1x224x224xf32, #tpu.memory_space<hbm>> -> memref<224x224xf32, #tpu.memory_space<hbm>>
    %dma_wait3A_263 = arith.constant 0 : i32
    %dma_wait3A_264 = arith.constant 0 : i32
    %dma_wait3A_265 = tpu.memref_slice %arg3[%select_n3A, %select_n3A_30, %dma_wait3A_254, %dma_wait3A_263, %dma_wait3A_264] : memref<4x8x3x224x224xf32, #tpu.memory_space<hbm>> -> memref<1x1x1x224x224xf32, #tpu.memory_space<hbm>>
    %dma_wait3A_266 = tpu.memref_squeeze %dma_wait3A_265 : memref<1x1x1x224x224xf32, #tpu.memory_space<hbm>> -> memref<224x224xf32, #tpu.memory_space<hbm>>
    %dma_wait3A_267 = arith.constant 0 : i32
    %dma_wait3A_268 = arith.constant 0 : i32
    %dma_wait3A_269 = tpu.memref_slice %arg4[%dma_wait3A_253, %dma_wait3A_267, %dma_wait3A_268] : memref<2x224x224xf32, #tpu.memory_space<vmem>> -> memref<1x224x224xf32, #tpu.memory_space<vmem>>
    %dma_wait3A_270 = tpu.memref_squeeze %dma_wait3A_269 : memref<1x224x224xf32, #tpu.memory_space<vmem>> -> memref<224x224xf32, #tpu.memory_space<vmem>>
    tpu.wait_dma2 semaphore(%arg7 : memref<!tpu.dma_semaphore, #tpu.memory_space<semaphore_mem>>) src(%dma_wait3A_270 : memref<224x224xf32, #tpu.memory_space<vmem>>) dst(%dma_wait3A_266 : memref<224x224xf32, #tpu.memory_space<hbm>>)
    return
  }
}

</mosaic_0001>

<sc_bundles>
// kernel: kernel.3.cloned.1.call-start
scs
__scs_entry_jumppad:
0x0: {  	(pc) =	sbr.rel $0x88, $3  }
0x1: {  	(tag) =	ssettag $0x0;
	lr =	simm.s32 $0x1  }
0x2: {  	[smem:$0x3FA0] =	sst lr;
	_ =	strace $0xD0000000  }
0x3: {  	_ = 	snop  }
0x4: {  	_ = 	snop  }
0x5: {  	_ = 	snop  }
0x6: {  	_ = 	snop  }
0x7: {  	_ = 	snop  }
__scs_overlays_trampoline_lowered:
0x8: {  	[smem:$0x3FAF] =	sst s0  }
0x9: {  	[smem:$0x3FB0] =	sst s1  }
0xa: {  	[smem:$0x3FB1] =	sst s2  }
0xb: {  	[smem:$0x3FB2] =	sst s3  }
0xc: {  	[smem:$0x3FB3] =	sst s4  }
0xd: {  	[smem:$0x3FB4] =	sst s5  }
0xe: {  	[smem:$0x3FB5] =	sst s6  }
0xf: {  	[smem:$0x3FB6] =	sst s7  }
0x10: {  	[smem:$0x3FB7] =	sst s8  }
0x11: {  	[smem:$0x3FB8] =	sst s9;
	s0 =	simm.s32 @!p0 $0x0  }
0x12: {  	s1 =	sld [smem:$0x3F9E];
	s0 =	simm.s32 @p0 $0x1  }
0x13: {  	[smem:$0x3FB9] =	sst s0;
	s0 =	simm.s32 @!p1 $0x0  }
0x14: {  	s2 =	sld [smem:$0x3F9D];
	s0 =	simm.s32 @p1 $0x1  }
0x15: {  	[smem:$0x3FBA] =	sst s0;
	s0 =	simm.s32 @!p2 $0x0  }
0x16: {  	s3 =	sld [smem:$0x3FDB];
	s0 =	simm.s32 @p2 $0x1  }
0x17: {  	s4 =	simm.s32 $0x1BF5;
	[smem:$0x3FBC] =	sst s0  }
0x18: {  	s0 =	sld [smem:$0x3F9F];
	_ =	swait.ge [sflag:s4], $0x0  }
0x19: {  	s7 =	sld [smem:$0x3FA0]  }
0x1a: {  	s8 =	sadd.s32 $0xFFFFE003, lr  }
0x1b: {  	s9 =	sadd.s32 $0xFFFFFEF7, lr;
	s5 =	simm.s32 $0xFFFFFFFF;
	p2 =	slt.u32 s8, $0xFFFFF086  }
0x1c: {  	p1 =	slt.u32 s9, $0xF7A;
	s5 =	simm.s32 @!p2 $0x0  }
0x1d: {  	s5 =	simm.s32 @p1 $0x1;
	p0 =	seq.s32 s7, s2  }
0x1e: {  	s7 =	smul.u32 @!p0 $0xF7A, s2;
	p2 =	seq.s32 @!p0 s5, $0x0  }
0x1f: {  	s9 =	smul.u32 $0xF7A, s1;
	s8 =	simm.s32 @!p0 $0x1BF5;
	p2 =	por !p2, p0  }
0x20: {  	[sflag:s8] =	ssyncset.s32 @!p0 $0xFFFFF086;
	s6 =	sadd.s32 @!p0 s3, s7;
	s7 =	simm.s32 @!p0 $0x108  }
0x21: {  	s3 =	sadd.s32 s3, s9;
	s6 =	sadd.s32 @!p0 $0x88, s6;
	s7 =	simm.s32 @p2 $0x1082  }
0x22: {  	[simem:s7], [sflag:s8] =	dma.local @!p0 [hbm:s6], $0xF7A  }
0x23: {  	s9 =	sor.u32 $0xD0000000, s2;
	s6 =	simm.s32 $0x108;
	_ =	swait.ge @!p0 [sflag:s8], $0x0  }
0x24: {  	s3 =	sadd.s32 $0x88, s3;
	s6 =	simm.s32 @!p1 $0x1082;
	[sflag:s4] =	ssyncset.s32 $0xFFFFF086  }
0x25: {  	[simem:s6], [sflag:s4] =	dma.local [hbm:s3], $0xF7A  }
0x26: {  	[smem:$0x3FA0] =	sst s1;
	(tag) =	ssettag s2;
	_ =	strace s9  }
0x27: {  	s1 =	sld [smem:$0x3FB0]  }
0x28: {  	s2 =	sld [smem:$0x3FB1]  }
0x29: {  	s4 =	sld [smem:$0x3FB3]  }
0x2a: {  	p0 =	seq.s32 s5, $0x0;
	s5 =	sld [smem:$0x3FB4]  }
0x2b: {  	s6 =	sld [smem:$0x3FB5]  }
0x2c: {  	s7 =	sld [smem:$0x3FB6]  }
0x2d: {  	s3 =	simm.s32 $0x108;
	s8 =	sld [smem:$0x3FB7]  }
0x2e: {  	s3 =	simm.s32 @!p0 $0x1082;
	s9 =	sld [smem:$0x3FB8]  }
0x2f: {  	lr =	sadd.s32 s0, s3;
	s0 =	sld [smem:$0x3FAF]  }
0x30: {  	s3 =	sld [smem:$0x3FB2]  }
0x31: {  	[smem:$0x3FBB] =	sst s10  }
0x32: {  	s10 =	sld [smem:$0x3FB9];
	_ =	sdelay $0x3  }
0x33: {  	p0 =	seq.s32 s10, $0x1;
	s10 =	sld [smem:$0x3FBB];
	_ =	sdelay $0x3  }
0x34: {  	[smem:$0x3FBB] =	sst s10  }
0x35: {  	s10 =	sld [smem:$0x3FBA];
	_ =	sdelay $0x3  }
0x36: {  	p1 =	seq.s32 s10, $0x1;
	s10 =	sld [smem:$0x3FBB];
	_ =	sdelay $0x3  }
0x37: {  	[smem:$0x3FBB] =	sst s10  }
0x38: {  	s10 =	sld [smem:$0x3FBC]  }
0x39: {  	_ = 	snop;
	(pc) =	sbr.ind lr, $3  }
0x3a: {  	_ = 	snop  }
0x3b: {  	_ = 	snop  }
0x3c: {  	p2 =	seq.s32 s10, $0x1;
	s10 =	sld [smem:$0x3FBB]  }
0x3d: {  	_ =	shalt  }
0x3e: {  	_ =	shalt  }
0x3f: {  	_ =	shalt  }
0x40: {  	_ =	shalt  }
0x41: {  	_ =	shalt  }
0x42: {  	_ =	shalt  }
0x43: {  	_ =	shalt  }
0x44: {  	_ =	shalt  }
0x45: {  	_ =	shalt  }
0x46: {  	_ =	shalt  }
0x47: {  	_ =	shalt  }
0x48: {  	_ =	shalt  }
0x49: {  	_ =	shalt  }
0x4a: {  	_ =	shalt  }
0x4b: {  	_ =	shalt  }
0x4c: {  	_ =	shalt  }
0x4d: {  	_ =	shalt  }
0x4e: {  	_ =	shalt  }
0x4f: {  	_ =	shalt  }
0x50: {  	_ =	shalt  }
0x51: {  	_ =	shalt  }
0x52: {  	_ =	shalt  }
0x53: {  	_ =	shalt  }
0x54: {  	_ =	shalt  }
0x55: {  	_ =	shalt  }
0x56: {  	_ =	shalt  }
0x57: {  	_ =	shalt  }
0x58: {  	_ =	shalt  }
0x59: {  	_ =	shalt  }
0x5a: {  	_ =	shalt  }
0x5b: {  	_ =	shalt  }
0x5c: {  	_ =	shalt  }
0x5d: {  	_ =	shalt  }
0x5e: {  	_ =	shalt  }
0x5f: {  	_ =	shalt  }
0x60: {  	_ =	shalt  }
0x61: {  	_ =	shalt  }
0x62: {  	_ =	shalt  }
0x63: {  	_ =	shalt  }
0x64: {  	_ =	shalt  }
0x65: {  	_ =	shalt  }
0x66: {  	_ =	shalt  }
0x67: {  	_ =	shalt  }
0x68: {  	_ =	shalt  }
0x69: {  	_ =	shalt  }
0x6a: {  	_ =	shalt  }
0x6b: {  	_ =	shalt  }
0x6c: {  	_ =	shalt  }
0x6d: {  	_ =	shalt  }
0x6e: {  	_ =	shalt  }
0x6f: {  	_ =	shalt  }
0x70: {  	_ =	shalt  }
0x71: {  	_ =	shalt  }
0x72: {  	_ =	shalt  }
0x73: {  	_ =	shalt  }
0x74: {  	_ =	shalt  }
0x75: {  	_ =	shalt  }
0x76: {  	_ =	shalt  }
0x77: {  	_ =	shalt  }
0x78: {  	_ =	shalt  }
0x79: {  	_ =	shalt  }
0x7a: {  	_ =	shalt  }
0x7b: {  	_ =	shalt  }
0x7c: {  	_ =	shalt  }
0x7d: {  	_ =	shalt  }
0x7e: {  	_ =	shalt  }
0x7f: {  	_ =	shalt  }
0x80: {  	_ =	shalt  }
0x81: {  	_ =	shalt  }
0x82: {  	_ =	shalt  }
0x83: {  	_ =	shalt  }
0x84: {  	_ =	shalt  }
0x85: {  	_ =	shalt  }
0x86: {  	_ =	shalt  }
0x87: {  	_ =	shalt  }
.Lfunc_end0:
.L_simem_size_0:
called_computation_lowered:
.L_overlay_start_0:
0x88: {  	s2 =	sld [smem:$0x3FD9]  }
0x89: {  	s3 =	sld [smem:$0x3FFE];
	_ =	sdelay $0x1  }
0x8a: {  	s1 =	srdreg.scid  }
0x8b: {  	s0 =	sand.u32 $0x1, s1  }
0x8c: {  	s15 =	sshll.u32 s0, $0xA;
	s2 =	sadd.s32 s3, s2  }
0x8d: {  	s2 =	sadd.s32 s2, s15  }
0x8e: {  	[smem:$0x3FC7] =	sst s2  }
0x8f: {  	_ = 	snop  }
0x90: {  	s2 =	sld [smem:$0x3FD0];
	_ =	sdelay $0x2  }
0x91: {  	s4 =	simm.s32 $0xA;
	s5 =	simm.s32 $0x10;
	s16 =	sld [smem:$0x3FC9]  }
0x92: {  	[smem:s5], [sflag:s4] =	dma.local [hbm:s2], $0x1  }
0x93: {  	_ =	swait.eq [sflag:s4], $0x1  }
0x94: {  	[sflag:s4] =	ssyncset.done $0x0  }
0x95: {  	[sflag:s4] =	ssyncadd.s32 $0xFFFFFFFF  }
0x96: {  	s17 =	sld [smem:$0x10];
	(tm) =	ssettm $0x1  }
0x97: {  	s18 =	sld [smem:$0x3FFB];
	_ =	sdelay $0x3  }
0x98: {  	_ =	strace s18  }
0x99: {  	s4 =	sld [smem:$0x3FFC];
	_ =	sdelay $0x3  }
0x9a: {  	_ =	strace s4  }
0x9b: {  	s4 =	sld [smem:$0x3FFD];
	_ =	sdelay $0x3  }
0x9c: {  	_ =	strace s4  }
0x9d: {  	_ =	strace $0x8FFFFFFF  }
0x9e: {  	s19 =	sld [smem:$0x3FDB];
	_ =	sdelay $0x1  }
0x9f: {  	s20 =	simm.s32 $_scs_section_size  }
0xa0: {  	s6 =	simm.s32 $_size__tile_overlayer_lowered;
	s7 =	simm.s32 $_tile_overlayer_lowered  }
0xa1: {  	s23 =	simm.s32 $0x1BFF;
	s22 =	sshll.u32 s7, $0x1;
	s4 =	sadd.s32 s20, s19  }
0xa2: {  	s8 =	simm.s32 $0x0;
	s21 =	sshll.u32 s6, $0x1;
	s6 =	sadd.s32 s22, s4  }
0xa3: {  	[timem:s8], [sflag:s23] =	dma.local [hbm:s6], s21  }
0xa4: {  	_ =	swait.ge [sflag:s23], s21  }
0xa5: {  	s5 =	ssub.s32 $0x0, s21;
	[sflag:s23] =	ssyncset.done $0x0  }
0xa6: {  	[sflag:s23] =	ssyncadd.s32 s5;
	_ =	sdelay $0x1  }
0xa7: {  	s24 =	simm.s32 $0x1B8B  }
0xa8: {  	_ =	swait.ge [sflag:s24], $0x1  }
0xa9: {  	[sflag:s24] =	ssyncset.done $0x0  }
0xaa: {  	s25 =	simm.s32 $0x1B8E;
	[sflag:s24] =	ssyncadd.s32 $0xFFFFFFFF  }
0xab: {  	s26 =	simm.s32 $execute0_lowered;
	[smem:$0x3FD2] =	sst s25  }
0xac: {  	s5 =	sshll.u32 s26, $0x1;
	_ =	strace $0x80000046;
	[dreg:$0x1] =	wrdreg $0xFFFFFFFF  }
0xad: {  	s28 =	simm.s32 $_size_execute0_lowered;
	s4 =	sadd.s32 s4, s5;
	[dreg:$0x0] =	wrdreg $0x0  }
0xae: {  	s5 =	sshll.u32 s28, $0x1;
	[dreg:$0x2] =	wrdreg s4  }
0xaf: {  	[dreg:$0x3] =	wrdreg s5  }
0xb0: {  	[dreg:$0x4] =	wrdreg $0xC0  }
0xb1: {  	_ =	task [dreg:s8], $0x5FFFF  }
0xb2: {  	[dreg:$0x1] =	wrdreg $0xFFFFFFFF  }
0xb3: {  	[dreg:$0x0] =	wrdreg $0x60  }
0xb4: {  	[dreg:$0x2] =	wrdreg s16  }
0xb5: {  	[dreg:$0x3] =	wrdreg s17  }
0xb6: {  	[dreg:$0x4] =	wrdreg $0x9  }
0xb7: {  	_ =	task.clear_ibuf [dreg:s8], $0x5FFFF;
	_ =	strace $0x90000046  }
0xb8: {  	s29 =	simm.s32 $0x9;
	_ =	strace $0x80000048  }
0xb9: {  	_ =	swait.ge [sflag:s29], $0x1  }
0xba: {  	[sflag:s29] =	ssyncadd.s32 $0xFFFFFFFF  }
0xbb: {  	_ =	strace $0x90000048  }
0xbc: {  	_ =	sfence  }
0xbd: {  	s30 =	sld [smem:$0x0];
	_ =	sdelay $0x2  }
0xbe: {  	s31 =	sshll.u32 s1, $0xD;
	s1 =	sshrl.u32 s1, $0x2  }
0xbf: {  	s3 =	sand.u32 $0x4000, s31;
	s1 =	sadd.s32 s1, s30  }
0xc0: {  	s0 =	sor.u32 s3, s0;
	s1 =	sshll.u32 s1, $0x11  }
0xc1: {  	s0 =	sor.u32 s1, s0  }
0xc2: {  	s0 =	sadd.s32 $0x8F2B, s0  }
0xc3: {  	[sflag:s0] =	ssyncadd.remote.s32 $0x1  }
0xc4: {  	_ =	sfence.sel $0xFFFF  }
0xc5: {  	[dreg:$0x0] =	wrdreg $0xFFFFFFFF;
	(pc) =	sbr.abs _section_cstart, $3  }
0xc6: {  	[dreg:$0x1] =	wrdreg $0xFFFFFFFF  }
0xc7: {  	_ =	task.clear_ibuf [dreg:s8], $0x2FFFF;
	_ =	strace $0x9FFFFFFF  }
0xc8: {  	(tm) =	ssettm $0x7FFFFFFF  }
0xc9: {  	_ =	shalt  }
tec
execute0_lowered:
.L_overlay_start_1:
0x0: {  	(tag) =	ssettag $0x1  }
0x1: {  	s0 =	stileid.u32  }
0x2: {  	s1 =	srdreg.scid;
	s2 =	sshll.u32 s0, $0x1  }
0x3: {  	s12 =	sand.u32 $0x1, s1;
	s29 =	sand.u32 $0x6, s2  }
0x4: {  	s5 =	sor.u32 s12, s29  }
0x5: {  	s1 =	smul.u32 $0x47B, s5  }
0x6: {  	s30 =	smul.u32 $0x1F, s5  }
0x7: {  	s1 =	sshrl.u32 s1, $0x8  }
0x8: {  	s2 =	ssub.s32 s30, s1  }
0x9: {  	s2 =	sand.u32 $0xFE, s2  }
0xa: {  	s2 =	sshrl.u32 s2, $0x1  }
0xb: {  	s6 =	sshrl.u32 s0, $0x2;
	s1 =	sadd.s32 s1, s2  }
0xc: {  	s31 =	smul.u32 $0x540000, s6;
	s1 =	sshrl.u32 s1, $0x2  }
0xd: {  	s3 =	rddreg [dreg:$0x0];
	s1 =	smul.u32 $0x2A000, s1  }
0xe: {  	s7 =	rddreg [dreg:$0x1]  }
0xf: {  	s8 =	smul.u32 $0x150000, s6;
	s2 =	simm.s32 $0x0;
	s4 =	sadd.s32 s31, s1  }
0x10: {  	s6 =	simm.s32 $0x1;
	[smem:$0x7FF] =	sst s2;
	s4 =	sshrl.u32 s4, $0x3  }
0x11: {  	s1 =	rddreg [dreg:$0x2];
	_ =	strace $0x80000047;
	s3 =	sadd.s32 s3, s4  }
0x12: {  	[tilespmem:s2], [sflag:$0x1] =	stream.linear.gather [hbm4b:s3+s2], $0xE000, $0x38;
	[tilespmem:$0x1C000] =	vst v63  }
0x13: {  	s9 =	smul.u32 $0x2A000, s5;
	s5 =	simm.s32 $0xE000;
	s4 =	sadd.s32 $0x1C00, s3  }
0x14: {  	[tilespmem:s5], [sflag:$0x2] =	stream.linear.gather [hbm4b:s4+s2], $0xE000, $0x38;
	[tilespmem:$0x1C000] =	vst v63  }
0x15: {  	s8 =	sadd.s32 s8, s9;
	_ =	swait.ge [sflag:s6], $0xE000  }
0x16: {  	s8 =	sshrl.u32 s8, $0x3;
	[sflag:s6] =	ssyncset.done $0x0  }
0x17: {  	s8 =	sadd.s32 s7, s8;
	s7 =	simm.s32 $0x3;
	[sflag:s6] =	ssyncadd.s32 $0xFFFF2000  }
0x18: {  	[hbm4b:s8+s2] =	stream.linear.scatter [tilespmem:s2], [sflag:$0x3], $0xE000, $0x38;
	[tilespmem:$0x1C000] =	vst v63  }
0x19: {  	_ =	swait.ge [sflag:s7], $0xE000  }
0x1a: {  	[sflag:s7] =	ssyncset.done $0x0  }
0x1b: {  	s10 =	simm.s32 $0x2;
	s9 =	sadd.s32 $0x3800, s3;
	[sflag:s7] =	ssyncadd.s32 $0xFFFF2000  }
0x1c: {  	[tilespmem:s2], [sflag:$0x1] =	stream.linear.gather [hbm4b:s9+s2], $0xE000, $0x38;
	[tilespmem:$0x1C000] =	vst v63  }
0x1d: {  	_ =	swait.ge [sflag:s10], $0xE000  }
0x1e: {  	s14 =	ssub.s32 $0x2, s12;
	[sflag:s10] =	ssyncset.done $0x0  }
0x1f: {  	s15 =	sshrl.u32 s14, $0x1;
	s11 =	sadd.s32 $0x1C00, s8;
	[sflag:s10] =	ssyncadd.s32 $0xFFFF2000  }
0x20: {  	[hbm4b:s11+s2] =	stream.linear.scatter [tilespmem:s5], [sflag:$0x4], $0xE000, $0x38;
	[tilespmem:$0x1C000] =	vst v63  }
0x21: {  	s14 =	ssub.s32 s14, s15;
	_ =	swait.ge [sflag:s6], $0xE000  }
0x22: {  	s13 =	simm.s32 $0x4;
	s14 =	smax.u32 s14, $0x1;
	[sflag:s6] =	ssyncset.done $0x0  }
0x23: {  	p0 =	sne.s32 s14, $0x1;
	s12 =	sadd.s32 $0x3800, s8;
	[sflag:s6] =	ssyncadd.s32 $0xFFFF2000  }
0x24: {  	[hbm4b:s12+s2] =	stream.linear.scatter [tilespmem:s2], [sflag:$0x3], $0xE000, $0x38;
	[tilespmem:$0x1C000] =	vst v63  }
.Ltmp0:
0x25: {  	_ =	swait.ge [sflag:s13], $0xE000;
	(pc) =	sbr.rel @!p0 .LBB2_2-.Ltmp0, $4  }
0x26: {  	[sflag:s13] =	ssyncset.done $0x0  }
0x27: {  	[sflag:s13] =	ssyncadd.s32 $0xFFFF2000  }
0x28: {  	_ =	swait.ge [sflag:s7], $0xE000  }
0x29: {  	s14 =	sadd.s32 $0xFFFFFFFF, s14;
	[sflag:s7] =	ssyncset.done $0x0  }
.LBB2_1:
0x2a: {  	p0 =	sne.s32 s14, $0x1;
	s14 =	sadd.s32 $0xFFFFFFFF, s14;
	[sflag:s7] =	ssyncadd.s32 $0xFFFF2000  }
0x2b: {  	[tilespmem:s2], [sflag:$0x1] =	stream.linear.gather [hbm4b:s3+s2], $0xE000, $0x38;
	[tilespmem:$0x1C000] =	vst v63  }
0x2c: {  	_ = 	snop  }
0x2d: {  	[tilespmem:s5], [sflag:$0x2] =	stream.linear.gather [hbm4b:s4+s2], $0xE000, $0x38;
	[tilespmem:$0x1C000] =	vst v63  }
0x2e: {  	_ =	swait.ge [sflag:s6], $0xE000  }
0x2f: {  	[sflag:s6] =	ssyncset.done $0x0  }
0x30: {  	[sflag:s6] =	ssyncadd.s32 $0xFFFF2000  }
0x31: {  	[hbm4b:s8+s2] =	stream.linear.scatter [tilespmem:s2], [sflag:$0x3], $0xE000, $0x38;
	[tilespmem:$0x1C000] =	vst v63  }
0x32: {  	_ =	swait.ge [sflag:s7], $0xE000  }
0x33: {  	[sflag:s7] =	ssyncset.done $0x0  }
0x34: {  	[sflag:s7] =	ssyncadd.s32 $0xFFFF2000  }
0x35: {  	[tilespmem:s2], [sflag:$0x1] =	stream.linear.gather [hbm4b:s9+s2], $0xE000, $0x38;
	[tilespmem:$0x1C000] =	vst v63  }
0x36: {  	_ =	swait.ge [sflag:s10], $0xE000  }
0x37: {  	[sflag:s10] =	ssyncset.done $0x0  }
0x38: {  	[sflag:s10] =	ssyncadd.s32 $0xFFFF2000  }
0x39: {  	[hbm4b:s11+s2] =	stream.linear.scatter [tilespmem:s5], [sflag:$0x4], $0xE000, $0x38;
	[tilespmem:$0x1C000] =	vst v63  }
0x3a: {  	_ =	swait.ge [sflag:s6], $0xE000  }
0x3b: {  	[sflag:s6] =	ssyncset.done $0x0  }
0x3c: {  	[sflag:s6] =	ssyncadd.s32 $0xFFFF2000  }
0x3d: {  	[hbm4b:s12+s2] =	stream.linear.scatter [tilespmem:s2], [sflag:$0x3], $0xE000, $0x38;
	[tilespmem:$0x1C000] =	vst v63  }
.Ltmp1:
0x3e: {  	_ =	swait.ge [sflag:s13], $0xE000;
	(pc) =	sbr.rel @p0 .LBB2_1-.Ltmp1, $4  }
0x3f: {  	[sflag:s13] =	ssyncset.done $0x0  }
0x40: {  	[sflag:s13] =	ssyncadd.s32 $0xFFFF2000  }
0x41: {  	_ =	swait.ge [sflag:s7], $0xE000  }
0x42: {  	[sflag:s7] =	ssyncset.done $0x0  }
.LBB2_2:
0x43: {  	[sflag:s7] =	ssyncadd.s32 $0xFFFF2000  }
0x44: {  	_ =	sfence.sel $0x180000  }
0x45: {  	[bflag:$0x0] =	sbarrier.arrive $0xFFFF  }
0x46: {  	p0 =	sne.s32 s0, $0x0;
	_ =	strace $0x90000047  }
0x47: {  	s0 =	sadd.s32 @!p0 $0x100000, s1;
	[bflag:$0x2] =	sbarrier.arrive $0xFFFF  }
0x48: {  	[sflag:s0] =	ssyncadd.tile.s32 @!p0 $0x1;
	_ =	shalt  }
.Lfunc_end2:
_tile_overlayer_lowered:
.L_overlay_start_2:
0x49: {  	(tag) =	ssettag $0x2  }
0x4a: {  	s0 =	rddreg [dreg:$0x0];
	s2 =	stileid.u32  }
0x4b: {  	s1 =	rddreg [dreg:$0x1];
	p0 =	sne.s32 s2, $0x0  }
0x4c: {  	s3 =	rddreg [dreg:$0x2];
	[bflag:$0x3] =	sbarrier.arrive $0xFFFF;
	s2 =	simm.s32 @!p0 $0x1C05  }
0x4d: {  	[timem:s3], [sflag:s2] =	dma.local @!p0 [hbm:s0], s1  }
0x4e: {  	s0 =	simm.s32 @!p0 $0x5  }
0x4f: {  	_ =	swait.ge @!p0 [sflag:s0], s1  }
0x50: {  	s1 =	ssub.s32 @!p0 $0x0, s1;
	[sflag:s0] =	ssyncset.done @!p0 $0x0  }
0x51: {  	[sflag:s0] =	ssyncadd.s32 @!p0 s1  }
0x52: {  	[bflag:$0x3] =	sbarrier.arrive $0xFFFF  }
0x53: {  	_ =	shalt  }

</sc_bundles>
